<compile_context>
chip_gen: v7x
topology: tpu7x:2x2x1
jax: 0.10.2.dev20260603
libtpu: 0.0.44.dev20260713+nightly
codegen_flags: <defaults>
</compile_context>

<pallas_src>
import functools

import jax
import jax.numpy as jnp
from jax import lax
from jax.experimental import pallas as pl
from jax.experimental.pallas import tpu as pltpu
from jax.experimental.pallas import tpu_sc as plsc

_NC = 2
_NS = 16
_NW = _NC * _NS
_CHUNK = 32
_NBUF = 3


@functools.lru_cache(maxsize=None)
def _make_gather(total_rows: int, d: int):
    rows_per_w = total_rows // _NW
    n_chunks = rows_per_w // _CHUNK
    mesh = plsc.VectorSubcoreMesh(core_axis_name="c", subcore_axis_name="s")

    @functools.partial(
        pl.kernel,
        mesh=mesh,
        out_type=jax.ShapeDtypeStruct((total_rows, d), jnp.float32),
        scratch_types=[
            pltpu.VMEM((rows_per_w,), jnp.int32),
            pltpu.VMEM((_NBUF, _CHUNK, d), jnp.float32),
            pltpu.SemaphoreType.DMA,
            pltpu.SemaphoreType.DMA,
        ],
    )
    def gather_kernel(idx_hbm, table_hbm, out_hbm, idx_v, bufs, gsem, ssem):
        wid = lax.axis_index("c") * _NS + lax.axis_index("s")
        base = wid * rows_per_w
        pltpu.sync_copy(idx_hbm.at[pl.ds(base, rows_per_w)], idx_v)

        def gather(c, b):
            pltpu.async_copy(
                table_hbm.at[idx_v.at[pl.ds(c * _CHUNK, _CHUNK)]],
                bufs.at[b], gsem,
            )

        def gather_wait(c, b):
            pltpu.make_async_copy(
                table_hbm.at[idx_v.at[pl.ds(c * _CHUNK, _CHUNK)]],
                bufs.at[b], gsem,
            ).wait()

        def scatter(c, b):
            pltpu.async_copy(
                bufs.at[b], out_hbm.at[pl.ds(base + c * _CHUNK, _CHUNK)],
                ssem,
            )

        def scatter_wait(c, b):
            pltpu.make_async_copy(
                bufs.at[b], out_hbm.at[pl.ds(base + c * _CHUNK, _CHUNK)],
                ssem,
            ).wait()

        gather(0, 0)

        def body(c, carry):
            cn = c + 1
            bn = lax.rem(cn, _NBUF)

            @pl.when(cn < n_chunks)
            def _():
                @pl.when(c >= _NBUF - 1)
                def _():
                    scatter_wait(cn - _NBUF, bn)

                gather(cn, bn)

            b = lax.rem(c, _NBUF)
            gather_wait(c, b)
            scatter(c, b)
            return carry

        lax.fori_loop(0, n_chunks, body, 0)
        for c in range(n_chunks - _NBUF, n_chunks):
            scatter_wait(c, c % _NBUF)

    return gather_kernel


def kernel(position_ids, pe):
    b, s = position_ids.shape
    idx = position_ids.reshape(-1).astype(jnp.int32)
    out = _make_gather(b * s, pe.shape[1])(idx, pe)
    return out.reshape(b, s, pe.shape[1])

# --- scband reference (transcript-rebuilt; emitter-appended) ---
"""Pipeline reference for scband-sinusoidal-position-embedding-2877628088668 (READ-ONLY COPY).

The authoritative reference and input builder live on the scoring server;
editing this copy changes nothing except your own understanding.
"""

import math
import jax, jax.numpy as jnp
import numpy as np

MAX_LEN = 8192
D_MODEL = 1024

def _build_pe(max_len, d_model):
    position = np.arange(max_len, dtype=np.float32)[:, None]
    div_term = np.exp(np.arange(0, d_model, 2, dtype=np.float32) * (-math.log(10000.0) / d_model))
    pe = np.zeros((max_len, d_model), dtype=np.float32)
    pe[:, 0::2] = np.sin(position * div_term)
    if d_model % 2 == 0:
        pe[:, 1::2] = np.cos(position * div_term)
    else:
        pe[:, 1::2] = np.cos(position * div_term[:-1])
    return jnp.asarray(pe)

def setup_inputs(seed: int = 0) -> dict:
    key = jax.random.key(seed)
    k1, _ = jax.random.split(key)
    position_ids = jax.random.randint(k1, (4, 8192), 0, MAX_LEN, dtype=jnp.int64 if jax.config.jax_enable_x64 else jnp.int32)
    pe = _build_pe(MAX_LEN, D_MODEL)
    return {"position_ids": position_ids, "pe": pe}

def reference(position_ids, pe):
    # Gather: pe[position_ids] -> (..., seq_len, d_model)
    return jnp.take(pe, position_ids, axis=0)

if __name__ == "__main__":
    import jax
    _d = setup_inputs()
    print(jax.jit(kernel)(*tuple(_d.values())))

</pallas_src>

<mosaic_0001>
#map = affine_map<(d0, d1) -> (0)>
#map1 = affine_map<(d0, d1) -> (0, 0)>
module attributes {stable_mosaic.version = 14 : i64} {
  func.func @gather_kernel(%arg0: i32, %arg1: i32, %arg2: memref<32768xi32, #tpu.memory_space<hbm>>, %arg3: memref<8192x1024xf32, #tpu.memory_space<hbm>>, %arg4: memref<32768x1024xf32, #tpu.memory_space<hbm>>, %arg5: memref<1024xi32, #tpu.memory_space<vmem>>, %arg6: memref<3x32x1024xf32, #tpu.memory_space<vmem>>, %arg7: memref<!tpu.dma_semaphore, #tpu.memory_space<semaphore_mem>>, %arg8: memref<!tpu.dma_semaphore, #tpu.memory_space<semaphore_mem>>) attributes {dimension_semantics = [#tpu.dimension_semantics<core_parallel>, #tpu.dimension_semantics<subcore_parallel>], iteration_bounds = array<i64: 2, 16>, scalar_prefetch = 0 : i64, scratch_operands = 4 : i64, tpu.core_type = #tpu.core_type<sc_vector_subcore>, window_params = [{transform_indices = #map}, {transform_indices = #map1}, {transform_indices = #map1}]} {
    %mul3A = arith.constant 16 : i32
    %mul3A_0 = arith.muli %arg0, %mul3A : i32
    %add3A = arith.addi %mul3A_0, %arg1 : i32
    %mul3A_1 = arith.constant 1024 : i32
    %mul3A_2 = arith.muli %add3A, %mul3A_1 : i32
    "tpu.region"() ({
      %run_scoped3A = tpu.sem_alloc : memref<!tpu.dma_semaphore, #tpu.memory_space<semaphore_mem>>
      %dma_start3A_61 = tpu.memref_slice %arg2[%mul3A_2] : memref<32768xi32, #tpu.memory_space<hbm>> -> memref<1024xi32, #tpu.memory_space<hbm>>
      %dma_start3A_62 = tpu.memref_slice %arg2[%mul3A_2] : memref<32768xi32, #tpu.memory_space<hbm>> -> memref<1024xi32, #tpu.memory_space<hbm>>
      tpu.enqueue_dma source(%dma_start3A_62 : memref<1024xi32, #tpu.memory_space<hbm>>) target(%arg5 : memref<1024xi32, #tpu.memory_space<vmem>>) target_semaphore(%run_scoped3A : memref<!tpu.dma_semaphore, #tpu.memory_space<semaphore_mem>>)
      %dma_wait3A_63 = tpu.memref_slice %arg2[%mul3A_2] : memref<32768xi32, #tpu.memory_space<hbm>> -> memref<1024xi32, #tpu.memory_space<hbm>>
      %dma_wait3A_64 = tpu.memref_slice %arg2[%mul3A_2] : memref<32768xi32, #tpu.memory_space<hbm>> -> memref<1024xi32, #tpu.memory_space<hbm>>
      tpu.wait_dma2 semaphore(%run_scoped3A : memref<!tpu.dma_semaphore, #tpu.memory_space<semaphore_mem>>) src(%dma_wait3A_64 : memref<1024xi32, #tpu.memory_space<hbm>>) dst(%arg5 : memref<1024xi32, #tpu.memory_space<vmem>>)
      tpu.yield
    }) : () -> ()
    %dma_start3A = arith.constant 0 : i32
    %dma_start3A_3 = arith.constant 0 : i32
    %dma_start3A_4 = arith.constant 0 : i32
    %dma_start3A_5 = tpu.memref_slice %arg6[%dma_start3A, %dma_start3A_3, %dma_start3A_4] : memref<3x32x1024xf32, #tpu.memory_space<vmem>> -> memref<1x32x1024xf32, #tpu.memory_space<vmem>>
    %dma_start3A_6 = tpu.memref_squeeze %dma_start3A_5 : memref<1x32x1024xf32, #tpu.memory_space<vmem>> -> memref<32x1024xf32, #tpu.memory_space<vmem>>
    %dma_start3A_7 = arith.constant 0 : i32
    %dma_start3A_8 = tpu.memref_slice %arg5[%dma_start3A_7] : memref<1024xi32, #tpu.memory_space<vmem>> -> memref<32xi32, #tpu.memory_space<vmem>>
    %dma_start3A_9 = arith.constant 0 : i32
    %dma_start3A_10 = arith.constant 0 : i32
    %dma_start3A_11 = tpu.memref_slice %arg3[%dma_start3A_9, %dma_start3A_10] : memref<8192x1024xf32, #tpu.memory_space<hbm>> -> memref<8192x1024xf32, #tpu.memory_space<hbm>>
    tpu.enqueue_indirect_dma source(%dma_start3A_11 : memref<8192x1024xf32, #tpu.memory_space<hbm>>) target(%dma_start3A_6 : memref<32x1024xf32, #tpu.memory_space<vmem>>) offsets(%dma_start3A_8 : memref<32xi32, #tpu.memory_space<vmem>>) semaphore(%arg7 : memref<!tpu.dma_semaphore, #tpu.memory_space<semaphore_mem>>)
    %scan3A = arith.constant 0 : i32
    %scan3A_12 = arith.constant 0 : i32
    %scan3A_13 = arith.constant 32 : i32
    %scan3A_14 = arith.addi %scan3A_12, %scan3A_13 : i32
    %scan3A_15 = arith.constant 1 : i32
    scf.for %scan3A_61 = %scan3A_12 to %scan3A_14 step %scan3A_15  : i32 {
      %add3A_62 = arith.constant 1 : i32
      %add3A_63 = arith.addi %scan3A_61, %add3A_62 : i32
      %rem3A = arith.constant 3 : i32
      %rem3A_64 = arith.remsi %add3A_63, %rem3A : i32
      %lt3A = arith.constant 32 : i32
      %lt3A_65 = arith.cmpi slt, %add3A_63, %lt3A : i32
      %convert_element_type3A = arith.extui %lt3A_65 : i1 to i32
      %cond3A = arith.constant 0 : i32
      %cond3A_66 = arith.cmpi ne, %convert_element_type3A, %cond3A : i32
      scf.if %cond3A_66 {
        %ge3A = arith.constant 2 : i32
        %ge3A_94 = arith.cmpi sge, %scan3A_61, %ge3A : i32
        %convert_element_type3A_95 = arith.extui %ge3A_94 : i1 to i32
        %cond3A_96 = arith.constant 0 : i32
        %cond3A_97 = arith.cmpi ne, %convert_element_type3A_95, %cond3A_96 : i32
        scf.if %cond3A_97 {
          %sub3A = arith.constant 3 : i32
          %sub3A_108 = arith.subi %add3A_63, %sub3A : i32
          %mul3A_109 = arith.constant 32 : i32
          %mul3A_110 = arith.muli %sub3A_108, %mul3A_109 : i32
          %add3A_111 = arith.addi %mul3A_2, %mul3A_110 : i32
          %dma_wait3A_112 = arith.constant 0 : i32
          %dma_wait3A_113 = arith.constant 0 : i32
          %dma_wait3A_114 = tpu.memref_slice %arg6[%rem3A_64, %dma_wait3A_112, %dma_wait3A_113] : memref<3x32x1024xf32, #tpu.memory_space<vmem>> -> memref<1x32x1024xf32, #tpu.memory_space<vmem>>
          %dma_wait3A_115 = tpu.memref_squeeze %dma_wait3A_114 : memref<1x32x1024xf32, #tpu.memory_space<vmem>> -> memref<32x1024xf32, #tpu.memory_space<vmem>>
          %dma_wait3A_116 = arith.constant 0 : i32
          %dma_wait3A_117 = tpu.memref_slice %arg4[%add3A_111, %dma_wait3A_116] : memref<32768x1024xf32, #tpu.memory_space<hbm>> -> memref<32x1024xf32, #tpu.memory_space<hbm>>
          %dma_wait3A_118 = arith.constant 0 : i32
          %dma_wait3A_119 = tpu.memref_slice %arg4[%add3A_111, %dma_wait3A_118] : memref<32768x1024xf32, #tpu.memory_space<hbm>> -> memref<32x1024xf32, #tpu.memory_space<hbm>>
          %dma_wait3A_120 = arith.constant 0 : i32
          %dma_wait3A_121 = arith.constant 0 : i32
          %dma_wait3A_122 = tpu.memref_slice %arg6[%rem3A_64, %dma_wait3A_120, %dma_wait3A_121] : memref<3x32x1024xf32, #tpu.memory_space<vmem>> -> memref<1x32x1024xf32, #tpu.memory_space<vmem>>
          %dma_wait3A_123 = tpu.memref_squeeze %dma_wait3A_122 : memref<1x32x1024xf32, #tpu.memory_space<vmem>> -> memref<32x1024xf32, #tpu.memory_space<vmem>>
          tpu.wait_dma2 semaphore(%arg8 : memref<!tpu.dma_semaphore, #tpu.memory_space<semaphore_mem>>) src(%dma_wait3A_123 : memref<32x1024xf32, #tpu.memory_space<vmem>>) dst(%dma_wait3A_119 : memref<32x1024xf32, #tpu.memory_space<hbm>>)
        } else {
        }
        %mul3A_98 = arith.constant 32 : i32
        %mul3A_99 = arith.muli %add3A_63, %mul3A_98 : i32
        %dma_start3A_100 = arith.constant 0 : i32
        %dma_start3A_101 = arith.constant 0 : i32
        %dma_start3A_102 = tpu.memref_slice %arg6[%rem3A_64, %dma_start3A_100, %dma_start3A_101] : memref<3x32x1024xf32, #tpu.memory_space<vmem>> -> memref<1x32x1024xf32, #tpu.memory_space<vmem>>
        %dma_start3A_103 = tpu.memref_squeeze %dma_start3A_102 : memref<1x32x1024xf32, #tpu.memory_space<vmem>> -> memref<32x1024xf32, #tpu.memory_space<vmem>>
        %dma_start3A_104 = tpu.memref_slice %arg5[%mul3A_99] : memref<1024xi32, #tpu.memory_space<vmem>> -> memref<32xi32, #tpu.memory_space<vmem>>
        %dma_start3A_105 = arith.constant 0 : i32
        %dma_start3A_106 = arith.constant 0 : i32
        %dma_start3A_107 = tpu.memref_slice %arg3[%dma_start3A_105, %dma_start3A_106] : memref<8192x1024xf32, #tpu.memory_space<hbm>> -> memref<8192x1024xf32, #tpu.memory_space<hbm>>
        tpu.enqueue_indirect_dma source(%dma_start3A_107 : memref<8192x1024xf32, #tpu.memory_space<hbm>>) target(%dma_start3A_103 : memref<32x1024xf32, #tpu.memory_space<vmem>>) offsets(%dma_start3A_104 : memref<32xi32, #tpu.memory_space<vmem>>) semaphore(%arg7 : memref<!tpu.dma_semaphore, #tpu.memory_space<semaphore_mem>>)
      } else {
      }
      %rem3A_67 = arith.constant 3 : i32
      %rem3A_68 = arith.remsi %scan3A_61, %rem3A_67 : i32
      %mul3A_69 = arith.constant 32 : i32
      %mul3A_70 = arith.muli %scan3A_61, %mul3A_69 : i32
      %dma_wait3A_71 = arith.constant 0 : i32
      %dma_wait3A_72 = arith.constant 0 : i32
      %dma_wait3A_73 = tpu.memref_slice %arg6[%rem3A_68, %dma_wait3A_71, %dma_wait3A_72] : memref<3x32x1024xf32, #tpu.memory_space<vmem>> -> memref<1x32x1024xf32, #tpu.memory_space<vmem>>
      %dma_wait3A_74 = tpu.memref_squeeze %dma_wait3A_73 : memref<1x32x1024xf32, #tpu.memory_space<vmem>> -> memref<32x1024xf32, #tpu.memory_space<vmem>>
      %dma_wait3A_75 = tpu.memref_slice %arg5[%mul3A_70] : memref<1024xi32, #tpu.memory_space<vmem>> -> memref<32xi32, #tpu.memory_space<vmem>>
      %dma_wait3A_76 = arith.constant 0 : i32
      %dma_wait3A_77 = arith.constant 0 : i32
      %dma_wait3A_78 = tpu.memref_slice %arg3[%dma_wait3A_76, %dma_wait3A_77] : memref<8192x1024xf32, #tpu.memory_space<hbm>> -> memref<8192x1024xf32, #tpu.memory_space<hbm>>
      tpu.wait_indirect_dma semaphore(%arg7 : memref<!tpu.dma_semaphore, #tpu.memory_space<semaphore_mem>>) src(%dma_wait3A_78 : memref<8192x1024xf32, #tpu.memory_space<hbm>>) dst(%dma_wait3A_74 : memref<32x1024xf32, #tpu.memory_space<vmem>>)
      %mul3A_79 = arith.constant 32 : i32
      %mul3A_80 = arith.muli %scan3A_61, %mul3A_79 : i32
      %add3A_81 = arith.addi %mul3A_2, %mul3A_80 : i32
      %dma_start3A_82 = arith.constant 0 : i32
      %dma_start3A_83 = arith.constant 0 : i32
      %dma_start3A_84 = tpu.memref_slice %arg6[%rem3A_68, %dma_start3A_82, %dma_start3A_83] : memref<3x32x1024xf32, #tpu.memory_space<vmem>> -> memref<1x32x1024xf32, #tpu.memory_space<vmem>>
      %dma_start3A_85 = tpu.memref_squeeze %dma_start3A_84 : memref<1x32x1024xf32, #tpu.memory_space<vmem>> -> memref<32x1024xf32, #tpu.memory_space<vmem>>
      %dma_start3A_86 = arith.constant 0 : i32
      %dma_start3A_87 = tpu.memref_slice %arg4[%add3A_81, %dma_start3A_86] : memref<32768x1024xf32, #tpu.memory_space<hbm>> -> memref<32x1024xf32, #tpu.memory_space<hbm>>
      %dma_start3A_88 = arith.constant 0 : i32
      %dma_start3A_89 = tpu.memref_slice %arg4[%add3A_81, %dma_start3A_88] : memref<32768x1024xf32, #tpu.memory_space<hbm>> -> memref<32x1024xf32, #tpu.memory_space<hbm>>
      %dma_start3A_90 = arith.constant 0 : i32
      %dma_start3A_91 = arith.constant 0 : i32
      %dma_start3A_92 = tpu.memref_slice %arg6[%rem3A_68, %dma_start3A_90, %dma_start3A_91] : memref<3x32x1024xf32, #tpu.memory_space<vmem>> -> memref<1x32x1024xf32, #tpu.memory_space<vmem>>
      %dma_start3A_93 = tpu.memref_squeeze %dma_start3A_92 : memref<1x32x1024xf32, #tpu.memory_space<vmem>> -> memref<32x1024xf32, #tpu.memory_space<vmem>>
      tpu.enqueue_dma source(%dma_start3A_93 : memref<32x1024xf32, #tpu.memory_space<vmem>>) target(%dma_start3A_89 : memref<32x1024xf32, #tpu.memory_space<hbm>>) target_semaphore(%arg8 : memref<!tpu.dma_semaphore, #tpu.memory_space<semaphore_mem>>)
    }
    %scan3A_16 = arith.constant 32 : i32
    %add3A_17 = arith.constant 928 : i32
    %add3A_18 = arith.addi %mul3A_2, %add3A_17 : i32
    %dma_wait3A = arith.constant 2 : i32
    %dma_wait3A_19 = arith.constant 0 : i32
    %dma_wait3A_20 = arith.constant 0 : i32
    %dma_wait3A_21 = tpu.memref_slice %arg6[%dma_wait3A, %dma_wait3A_19, %dma_wait3A_20] : memref<3x32x1024xf32, #tpu.memory_space<vmem>> -> memref<1x32x1024xf32, #tpu.memory_space<vmem>>
    %dma_wait3A_22 = tpu.memref_squeeze %dma_wait3A_21 : memref<1x32x1024xf32, #tpu.memory_space<vmem>> -> memref<32x1024xf32, #tpu.memory_space<vmem>>
    %dma_wait3A_23 = arith.constant 0 : i32
    %dma_wait3A_24 = tpu.memref_slice %arg4[%add3A_18, %dma_wait3A_23] : memref<32768x1024xf32, #tpu.memory_space<hbm>> -> memref<32x1024xf32, #tpu.memory_space<hbm>>
    %dma_wait3A_25 = arith.constant 0 : i32
    %dma_wait3A_26 = tpu.memref_slice %arg4[%add3A_18, %dma_wait3A_25] : memref<32768x1024xf32, #tpu.memory_space<hbm>> -> memref<32x1024xf32, #tpu.memory_space<hbm>>
    %dma_wait3A_27 = arith.constant 0 : i32
    %dma_wait3A_28 = arith.constant 0 : i32
    %dma_wait3A_29 = tpu.memref_slice %arg6[%dma_wait3A, %dma_wait3A_27, %dma_wait3A_28] : memref<3x32x1024xf32, #tpu.memory_space<vmem>> -> memref<1x32x1024xf32, #tpu.memory_space<vmem>>
    %dma_wait3A_30 = tpu.memref_squeeze %dma_wait3A_29 : memref<1x32x1024xf32, #tpu.memory_space<vmem>> -> memref<32x1024xf32, #tpu.memory_space<vmem>>
    tpu.wait_dma2 semaphore(%arg8 : memref<!tpu.dma_semaphore, #tpu.memory_space<semaphore_mem>>) src(%dma_wait3A_30 : memref<32x1024xf32, #tpu.memory_space<vmem>>) dst(%dma_wait3A_26 : memref<32x1024xf32, #tpu.memory_space<hbm>>)
    %add3A_31 = arith.constant 960 : i32
    %add3A_32 = arith.addi %mul3A_2, %add3A_31 : i32
    %dma_wait3A_33 = arith.constant 0 : i32
    %dma_wait3A_34 = arith.constant 0 : i32
    %dma_wait3A_35 = arith.constant 0 : i32
    %dma_wait3A_36 = tpu.memref_slice %arg6[%dma_wait3A_33, %dma_wait3A_34, %dma_wait3A_35] : memref<3x32x1024xf32, #tpu.memory_space<vmem>> -> memref<1x32x1024xf32, #tpu.memory_space<vmem>>
    %dma_wait3A_37 = tpu.memref_squeeze %dma_wait3A_36 : memref<1x32x1024xf32, #tpu.memory_space<vmem>> -> memref<32x1024xf32, #tpu.memory_space<vmem>>
    %dma_wait3A_38 = arith.constant 0 : i32
    %dma_wait3A_39 = tpu.memref_slice %arg4[%add3A_32, %dma_wait3A_38] : memref<32768x1024xf32, #tpu.memory_space<hbm>> -> memref<32x1024xf32, #tpu.memory_space<hbm>>
    %dma_wait3A_40 = arith.constant 0 : i32
    %dma_wait3A_41 = tpu.memref_slice %arg4[%add3A_32, %dma_wait3A_40] : memref<32768x1024xf32, #tpu.memory_space<hbm>> -> memref<32x1024xf32, #tpu.memory_space<hbm>>
    %dma_wait3A_42 = arith.constant 0 : i32
    %dma_wait3A_43 = arith.constant 0 : i32
    %dma_wait3A_44 = tpu.memref_slice %arg6[%dma_wait3A_33, %dma_wait3A_42, %dma_wait3A_43] : memref<3x32x1024xf32, #tpu.memory_space<vmem>> -> memref<1x32x1024xf32, #tpu.memory_space<vmem>>
    %dma_wait3A_45 = tpu.memref_squeeze %dma_wait3A_44 : memref<1x32x1024xf32, #tpu.memory_space<vmem>> -> memref<32x1024xf32, #tpu.memory_space<vmem>>
    tpu.wait_dma2 semaphore(%arg8 : memref<!tpu.dma_semaphore, #tpu.memory_space<semaphore_mem>>) src(%dma_wait3A_45 : memref<32x1024xf32, #tpu.memory_space<vmem>>) dst(%dma_wait3A_41 : memref<32x1024xf32, #tpu.memory_space<hbm>>)
    %add3A_46 = arith.constant 992 : i32
    %add3A_47 = arith.addi %mul3A_2, %add3A_46 : i32
    %dma_wait3A_48 = arith.constant 1 : i32
    %dma_wait3A_49 = arith.constant 0 : i32
    %dma_wait3A_50 = arith.constant 0 : i32
    %dma_wait3A_51 = tpu.memref_slice %arg6[%dma_wait3A_48, %dma_wait3A_49, %dma_wait3A_50] : memref<3x32x1024xf32, #tpu.memory_space<vmem>> -> memref<1x32x1024xf32, #tpu.memory_space<vmem>>
    %dma_wait3A_52 = tpu.memref_squeeze %dma_wait3A_51 : memref<1x32x1024xf32, #tpu.memory_space<vmem>> -> memref<32x1024xf32, #tpu.memory_space<vmem>>
    %dma_wait3A_53 = arith.constant 0 : i32
    %dma_wait3A_54 = tpu.memref_slice %arg4[%add3A_47, %dma_wait3A_53] : memref<32768x1024xf32, #tpu.memory_space<hbm>> -> memref<32x1024xf32, #tpu.memory_space<hbm>>
    %dma_wait3A_55 = arith.constant 0 : i32
    %dma_wait3A_56 = tpu.memref_slice %arg4[%add3A_47, %dma_wait3A_55] : memref<32768x1024xf32, #tpu.memory_space<hbm>> -> memref<32x1024xf32, #tpu.memory_space<hbm>>
    %dma_wait3A_57 = arith.constant 0 : i32
    %dma_wait3A_58 = arith.constant 0 : i32
    %dma_wait3A_59 = tpu.memref_slice %arg6[%dma_wait3A_48, %dma_wait3A_57, %dma_wait3A_58] : memref<3x32x1024xf32, #tpu.memory_space<vmem>> -> memref<1x32x1024xf32, #tpu.memory_space<vmem>>
    %dma_wait3A_60 = tpu.memref_squeeze %dma_wait3A_59 : memref<1x32x1024xf32, #tpu.memory_space<vmem>> -> memref<32x1024xf32, #tpu.memory_space<vmem>>
    tpu.wait_dma2 semaphore(%arg8 : memref<!tpu.dma_semaphore, #tpu.memory_space<semaphore_mem>>) src(%dma_wait3A_60 : memref<32x1024xf32, #tpu.memory_space<vmem>>) dst(%dma_wait3A_56 : memref<32x1024xf32, #tpu.memory_space<hbm>>)
    return
  }
}

</mosaic_0001>

<sc_bundles>
// kernel: kernel.3.cloned.1.call-start
scs
__scs_entry_jumppad:
0x0: {  	(pc) =	sbr.rel $0x88, $3  }
0x1: {  	(tag) =	ssettag $0x0;
	lr =	simm.s32 $0x1  }
0x2: {  	[smem:$0x3F9F] =	sst lr;
	_ =	strace $0xD0000000  }
0x3: {  	_ = 	snop  }
0x4: {  	_ = 	snop  }
0x5: {  	_ = 	snop  }
0x6: {  	_ = 	snop  }
0x7: {  	_ = 	snop  }
__scs_overlays_trampoline_lowered:
0x8: {  	[smem:$0x3FAE] =	sst s0  }
0x9: {  	[smem:$0x3FAF] =	sst s1  }
0xa: {  	[smem:$0x3FB0] =	sst s2  }
0xb: {  	[smem:$0x3FB1] =	sst s3  }
0xc: {  	[smem:$0x3FB2] =	sst s4  }
0xd: {  	[smem:$0x3FB3] =	sst s5  }
0xe: {  	[smem:$0x3FB4] =	sst s6  }
0xf: {  	[smem:$0x3FB5] =	sst s7  }
0x10: {  	[smem:$0x3FB6] =	sst s8  }
0x11: {  	[smem:$0x3FB7] =	sst s9;
	s0 =	simm.s32 @!p0 $0x0  }
0x12: {  	s1 =	sld [smem:$0x3F9D];
	s0 =	simm.s32 @p0 $0x1  }
0x13: {  	[smem:$0x3FB8] =	sst s0;
	s0 =	simm.s32 @!p1 $0x0  }
0x14: {  	s2 =	sld [smem:$0x3F9C];
	s0 =	simm.s32 @p1 $0x1  }
0x15: {  	[smem:$0x3FB9] =	sst s0;
	s0 =	simm.s32 @!p2 $0x0  }
0x16: {  	s3 =	sld [smem:$0x3FDB];
	s0 =	simm.s32 @p2 $0x1  }
0x17: {  	s4 =	simm.s32 $0x1BF5;
	[smem:$0x3FBB] =	sst s0  }
0x18: {  	s0 =	sld [smem:$0x3F9E];
	_ =	swait.ge [sflag:s4], $0x0  }
0x19: {  	s7 =	sld [smem:$0x3F9F]  }
0x1a: {  	s8 =	sadd.s32 $0xFFFFE003, lr  }
0x1b: {  	s9 =	sadd.s32 $0xFFFFFEF7, lr;
	s5 =	simm.s32 $0xFFFFFFFF;
	p2 =	slt.u32 s8, $0xFFFFF086  }
0x1c: {  	p1 =	slt.u32 s9, $0xF7A;
	s5 =	simm.s32 @!p2 $0x0  }
0x1d: {  	s5 =	simm.s32 @p1 $0x1;
	p0 =	seq.s32 s7, s2  }
0x1e: {  	s7 =	smul.u32 @!p0 $0xF7A, s2;
	p2 =	seq.s32 @!p0 s5, $0x0  }
0x1f: {  	s9 =	smul.u32 $0xF7A, s1;
	s8 =	simm.s32 @!p0 $0x1BF5;
	p2 =	por !p2, p0  }
0x20: {  	[sflag:s8] =	ssyncset.s32 @!p0 $0xFFFFF086;
	s6 =	sadd.s32 @!p0 s3, s7;
	s7 =	simm.s32 @!p0 $0x108  }
0x21: {  	s3 =	sadd.s32 s3, s9;
	s6 =	sadd.s32 @!p0 $0x88, s6;
	s7 =	simm.s32 @p2 $0x1082  }
0x22: {  	[simem:s7], [sflag:s8] =	dma.local @!p0 [hbm:s6], $0xF7A  }
0x23: {  	s9 =	sor.u32 $0xD0000000, s2;
	s6 =	simm.s32 $0x108;
	_ =	swait.ge @!p0 [sflag:s8], $0x0  }
0x24: {  	s3 =	sadd.s32 $0x88, s3;
	s6 =	simm.s32 @!p1 $0x1082;
	[sflag:s4] =	ssyncset.s32 $0xFFFFF086  }
0x25: {  	[simem:s6], [sflag:s4] =	dma.local [hbm:s3], $0xF7A  }
0x26: {  	[smem:$0x3F9F] =	sst s1;
	(tag) =	ssettag s2;
	_ =	strace s9  }
0x27: {  	s1 =	sld [smem:$0x3FAF]  }
0x28: {  	s2 =	sld [smem:$0x3FB0]  }
0x29: {  	s4 =	sld [smem:$0x3FB2]  }
0x2a: {  	p0 =	seq.s32 s5, $0x0;
	s5 =	sld [smem:$0x3FB3]  }
0x2b: {  	s6 =	sld [smem:$0x3FB4]  }
0x2c: {  	s7 =	sld [smem:$0x3FB5]  }
0x2d: {  	s3 =	simm.s32 $0x108;
	s8 =	sld [smem:$0x3FB6]  }
0x2e: {  	s3 =	simm.s32 @!p0 $0x1082;
	s9 =	sld [smem:$0x3FB7]  }
0x2f: {  	lr =	sadd.s32 s0, s3;
	s0 =	sld [smem:$0x3FAE]  }
0x30: {  	s3 =	sld [smem:$0x3FB1]  }
0x31: {  	[smem:$0x3FBA] =	sst s10  }
0x32: {  	s10 =	sld [smem:$0x3FB8];
	_ =	sdelay $0x3  }
0x33: {  	p0 =	seq.s32 s10, $0x1;
	s10 =	sld [smem:$0x3FBA];
	_ =	sdelay $0x3  }
0x34: {  	[smem:$0x3FBA] =	sst s10  }
0x35: {  	s10 =	sld [smem:$0x3FB9];
	_ =	sdelay $0x3  }
0x36: {  	p1 =	seq.s32 s10, $0x1;
	s10 =	sld [smem:$0x3FBA];
	_ =	sdelay $0x3  }
0x37: {  	[smem:$0x3FBA] =	sst s10  }
0x38: {  	s10 =	sld [smem:$0x3FBB]  }
0x39: {  	_ = 	snop;
	(pc) =	sbr.ind lr, $3  }
0x3a: {  	_ = 	snop  }
0x3b: {  	_ = 	snop  }
0x3c: {  	p2 =	seq.s32 s10, $0x1;
	s10 =	sld [smem:$0x3FBA]  }
0x3d: {  	_ =	shalt  }
0x3e: {  	_ =	shalt  }
0x3f: {  	_ =	shalt  }
0x40: {  	_ =	shalt  }
0x41: {  	_ =	shalt  }
0x42: {  	_ =	shalt  }
0x43: {  	_ =	shalt  }
0x44: {  	_ =	shalt  }
0x45: {  	_ =	shalt  }
0x46: {  	_ =	shalt  }
0x47: {  	_ =	shalt  }
0x48: {  	_ =	shalt  }
0x49: {  	_ =	shalt  }
0x4a: {  	_ =	shalt  }
0x4b: {  	_ =	shalt  }
0x4c: {  	_ =	shalt  }
0x4d: {  	_ =	shalt  }
0x4e: {  	_ =	shalt  }
0x4f: {  	_ =	shalt  }
0x50: {  	_ =	shalt  }
0x51: {  	_ =	shalt  }
0x52: {  	_ =	shalt  }
0x53: {  	_ =	shalt  }
0x54: {  	_ =	shalt  }
0x55: {  	_ =	shalt  }
0x56: {  	_ =	shalt  }
0x57: {  	_ =	shalt  }
0x58: {  	_ =	shalt  }
0x59: {  	_ =	shalt  }
0x5a: {  	_ =	shalt  }
0x5b: {  	_ =	shalt  }
0x5c: {  	_ =	shalt  }
0x5d: {  	_ =	shalt  }
0x5e: {  	_ =	shalt  }
0x5f: {  	_ =	shalt  }
0x60: {  	_ =	shalt  }
0x61: {  	_ =	shalt  }
0x62: {  	_ =	shalt  }
0x63: {  	_ =	shalt  }
0x64: {  	_ =	shalt  }
0x65: {  	_ =	shalt  }
0x66: {  	_ =	shalt  }
0x67: {  	_ =	shalt  }
0x68: {  	_ =	shalt  }
0x69: {  	_ =	shalt  }
0x6a: {  	_ =	shalt  }
0x6b: {  	_ =	shalt  }
0x6c: {  	_ =	shalt  }
0x6d: {  	_ =	shalt  }
0x6e: {  	_ =	shalt  }
0x6f: {  	_ =	shalt  }
0x70: {  	_ =	shalt  }
0x71: {  	_ =	shalt  }
0x72: {  	_ =	shalt  }
0x73: {  	_ =	shalt  }
0x74: {  	_ =	shalt  }
0x75: {  	_ =	shalt  }
0x76: {  	_ =	shalt  }
0x77: {  	_ =	shalt  }
0x78: {  	_ =	shalt  }
0x79: {  	_ =	shalt  }
0x7a: {  	_ =	shalt  }
0x7b: {  	_ =	shalt  }
0x7c: {  	_ =	shalt  }
0x7d: {  	_ =	shalt  }
0x7e: {  	_ =	shalt  }
0x7f: {  	_ =	shalt  }
0x80: {  	_ =	shalt  }
0x81: {  	_ =	shalt  }
0x82: {  	_ =	shalt  }
0x83: {  	_ =	shalt  }
0x84: {  	_ =	shalt  }
0x85: {  	_ =	shalt  }
0x86: {  	_ =	shalt  }
0x87: {  	_ =	shalt  }
.Lfunc_end0:
.L_simem_size_0:
called_computation_lowered:
.L_overlay_start_0:
0x88: {  	s2 =	sld [smem:$0x3FD9]  }
0x89: {  	s3 =	sld [smem:$0x3FFE];
	_ =	sdelay $0x1  }
0x8a: {  	s1 =	srdreg.scid  }
0x8b: {  	s0 =	sand.u32 $0x1, s1  }
0x8c: {  	s17 =	sshll.u32 s0, $0xA;
	s2 =	sadd.s32 s3, s2  }
0x8d: {  	s2 =	sadd.s32 s2, s17  }
0x8e: {  	[smem:$0x3FC6] =	sst s2  }
0x8f: {  	_ = 	snop  }
0x90: {  	s2 =	sld [smem:$0x3FC8]  }
0x91: {  	s18 =	sld [smem:$0x3FD0];
	(tm) =	ssettm $0x1  }
0x92: {  	s4 =	sld [smem:$0x3FFB];
	_ =	sdelay $0x3  }
0x93: {  	_ =	strace s4  }
0x94: {  	s4 =	sld [smem:$0x3FFC];
	_ =	sdelay $0x3  }
0x95: {  	_ =	strace s4  }
0x96: {  	s4 =	sld [smem:$0x3FFD];
	_ =	sdelay $0x3  }
0x97: {  	_ =	strace s4  }
0x98: {  	_ =	strace $0x8FFFFFFF  }
0x99: {  	s19 =	sld [smem:$0x3FDB];
	_ =	sdelay $0x1  }
0x9a: {  	s5 =	simm.s32 $_scs_section_size  }
0x9b: {  	s6 =	simm.s32 $_size__tile_overlayer_lowered;
	s7 =	simm.s32 $_tile_overlayer_lowered  }
0x9c: {  	s22 =	simm.s32 $0x1BFF;
	s21 =	sshll.u32 s7, $0x1;
	s4 =	sadd.s32 s5, s19  }
0x9d: {  	s8 =	simm.s32 $0x0;
	s20 =	sshll.u32 s6, $0x1;
	s6 =	sadd.s32 s21, s4  }
0x9e: {  	[timem:s8], [sflag:s22] =	dma.local [hbm:s6], s20  }
0x9f: {  	_ =	swait.ge [sflag:s22], s20  }
0xa0: {  	s5 =	ssub.s32 $0x0, s20;
	[sflag:s22] =	ssyncset.done $0x0  }
0xa1: {  	[sflag:s22] =	ssyncadd.s32 s5;
	_ =	sdelay $0x1  }
0xa2: {  	s23 =	simm.s32 $0x1B8B  }
0xa3: {  	_ =	swait.ge [sflag:s23], $0x1  }
0xa4: {  	[sflag:s23] =	ssyncset.done $0x0  }
0xa5: {  	s25 =	simm.s32 $0x1B8E;
	s24 =	sld [smem:$0x3FFE];
	[sflag:s23] =	ssyncadd.s32 $0xFFFFFFFF  }
0xa6: {  	s26 =	simm.s32 $execute0_lowered;
	[smem:$0x3FD2] =	sst s25  }
0xa7: {  	s6 =	sshll.u32 s26, $0x1;
	_ =	strace $0x80000046;
	[dreg:$0x1] =	wrdreg $0xFFFFFFFF  }
0xa8: {  	s28 =	simm.s32 $_size_execute0_lowered;
	s4 =	sadd.s32 s4, s6;
	[dreg:$0x0] =	wrdreg $0x0  }
0xa9: {  	s6 =	sshll.u32 s28, $0x1;
	[dreg:$0x2] =	wrdreg s4  }
0xaa: {  	[dreg:$0x3] =	wrdreg s6  }
0xab: {  	[dreg:$0x4] =	wrdreg $0xC0  }
0xac: {  	_ =	task [dreg:s8], $0x5FFFF  }
0xad: {  	[dreg:$0x1] =	wrdreg $0xFFFFFFFF  }
0xae: {  	[dreg:$0x0] =	wrdreg $0x60  }
0xaf: {  	[dreg:$0x2] =	wrdreg s24  }
0xb0: {  	[dreg:$0x3] =	wrdreg s2  }
0xb1: {  	[dreg:$0x4] =	wrdreg s18  }
0xb2: {  	[dreg:$0x5] =	wrdreg $0x9  }
0xb3: {  	_ =	task.clear_ibuf [dreg:s8], $0x6FFFF;
	_ =	strace $0x90000046  }
0xb4: {  	s29 =	simm.s32 $0x9;
	_ =	strace $0x80000048  }
0xb5: {  	_ =	swait.ge [sflag:s29], $0x1  }
0xb6: {  	[sflag:s29] =	ssyncadd.s32 $0xFFFFFFFF  }
0xb7: {  	_ =	strace $0x90000048  }
0xb8: {  	_ =	sfence  }
0xb9: {  	s30 =	sld [smem:$0x0];
	_ =	sdelay $0x2  }
0xba: {  	s31 =	sshll.u32 s1, $0xD;
	s1 =	sshrl.u32 s1, $0x2  }
0xbb: {  	s3 =	sand.u32 $0x4000, s31;
	s1 =	sadd.s32 s1, s30  }
0xbc: {  	s0 =	sor.u32 s3, s0;
	s1 =	sshll.u32 s1, $0x11  }
0xbd: {  	s0 =	sor.u32 s1, s0  }
0xbe: {  	s0 =	sadd.s32 $0x8F2B, s0  }
0xbf: {  	[sflag:s0] =	ssyncadd.remote.s32 $0x1  }
0xc0: {  	_ =	sfence.sel $0xFFFF  }
0xc1: {  	[dreg:$0x0] =	wrdreg $0xFFFFFFFF;
	(pc) =	sbr.abs _section_cstart, $3  }
0xc2: {  	[dreg:$0x1] =	wrdreg $0xFFFFFFFF  }
0xc3: {  	_ =	task.clear_ibuf [dreg:s8], $0x2FFFF;
	_ =	strace $0x9FFFFFFF  }
0xc4: {  	(tm) =	ssettm $0x7FFFFFFF  }
0xc5: {  	_ =	shalt  }
tec
execute0_lowered:
.L_overlay_start_1:
0x0: {  	(tag) =	ssettag $0x1  }
0x1: {  	s0 =	rddreg [dreg:$0x0]  }
0x2: {  	s1 =	srdreg.scid;
	s2 =	rddreg [dreg:$0x1]  }
0x3: {  	s10 =	stileid.u32;
	s9 =	rddreg [dreg:$0x2];
	s3 =	simm.s32 $0x0  }
0x4: {  	s21 =	simm.s32 $0x5400;
	s22 =	simm.s32 $0x5C00;
	s23 =	simm.s32 $0x6400  }
0x5: {  	s28 =	simm.s32 $0x1;
	s29 =	simm.s32 $0x2;
	s30 =	simm.s32 $0x0  }
0x6: {  	s1 =	sand.u32 $0x1, s1;
	s5 =	sshll.u32 s10, $0xA;
	[smem:$0x7FF] =	sst s3  }
0x7: {  	s6 =	sadd.s32 $0x200, s2;
	s7 =	sadd.s32 $0x300, s2;
	s31 =	sshll.u32 s10, $0x11  }
0x8: {  	s10 =	simm.s32 $0x3;
	s4 =	sshll.u32 s1, $0xE;
	s24 =	ssub.s32 $0x2, s1  }
0x9: {  	_ =	strace $0x80000047;
	s26 =	sshll.u32 s1, $0x15;
	s4 =	sor.u32 s5, s4  }
0xa: {  	s25 =	sshrl.u32 s24, $0x1;
	s5 =	sadd.s32 $0x100, s2;
	s4 =	sshrl.u32 s4, $0x3  }
0xb: {  	v2 =	vlaneseq.u32;
	s8 =	ssub.s32 s24, s25;
	s24 =	simm.s32 $0x6C00;
	s0 =	sadd.s32 s4, s0  }
0xc: {  	vm0 =	vmmov $0xffff;
	v1 =	vshrl.u32 v2, $0x3;
	s25 =	simm.s32 $0x7400;
	s4 =	sadd.s32 $0x400, s0;
	s0 =	sadd.s32 s26, s9  }
0xd: {  	v0 =	vand.u32 $0x7, v2;
	v2 =	vor.u32 $0x8, v2;
	v1 =	vmul.u32 $0x8, v1;
	s8 =	smax.u32 s8, $0x1;
	s26 =	simm.s32 $0x7C00;
	s14 =	sadd.s32 s31, s0  }
.LBB2_1:
0xe: {  	[tilespmem:s3], [sflag:$0x3] =	stream.linear.gather [hbm4b:s4+s3], $0x400, $0x38;
	[tilespmem:$0x18400] =	vst v63  }
0xf: {  	_ =	swait.ge [sflag:s10], $0x400  }
0x10: {  	[sflag:s10] =	ssyncset.done $0x0  }
0x11: {  	[sflag:s10] =	ssyncadd.s32 $0xFFFFFC00  }
0x12: {  	v3 =	vld [tilespmem:$0x0];
	_ =	sdelay $0x4  }
0x13: {  	v4 =	vshll.u32 v3, $0x3  }
0x14: {  	v3 =	vand.u32 $0x7, v3;
	v4 =	vand.u32 $0xFFFFFFC0, v4  }
0x15: {  	v3 =	vor.u32 v3, v4  }
0x16: {  	v4 =	vperm.xlane v3, v0;
	_ =	sdelay $0x1  }
0x17: {  	v4 =	vadd.s32 v1, v4;
	_ =	sdelay $0x3  }
0x18: {  	s0 =	simm.s32 $0x400  }
0x19: {  	[tilespmem:s0], [sflag:$0x1] =	stream.indirect_vreg.gather [hbm4b:s2+s3], $0x80, v4, vm0, $0xb8;
	[tilespmem:$0x18400] =	vst v63  }
0x1a: {  	s20 =	simm.s32 $0xC00;
	v3 =	vperm.xlane v3, v2  }
0x1b: {  	[tilespmem:s20], [sflag:$0x1] =	stream.indirect_vreg.gather [hbm4b:s5+s3], $0x80, v4, vm0, $0xb8;
	[tilespmem:$0x18400] =	vst v63  }
0x1c: {  	s1 =	simm.s32 $0x1400;
	v3 =	vadd.s32 v1, v3  }
0x1d: {  	[tilespmem:s1], [sflag:$0x1] =	stream.indirect_vreg.gather [hbm4b:s6+s3], $0x80, v4, vm0, $0xb8;
	[tilespmem:$0x18400] =	vst v63  }
0x1e: {  	s9 =	simm.s32 $0x1C00  }
0x1f: {  	[tilespmem:s9], [sflag:$0x1] =	stream.indirect_vreg.gather [hbm4b:s7+s3], $0x80, v4, vm0, $0xb8;
	[tilespmem:$0x18400] =	vst v63  }
0x20: {  	s11 =	simm.s32 $0x2400  }
0x21: {  	[tilespmem:s11], [sflag:$0x1] =	stream.indirect_vreg.gather [hbm4b:s2+s3], $0x80, v3, vm0, $0xb8;
	[tilespmem:$0x18400] =	vst v63  }
0x22: {  	s12 =	simm.s32 $0x2C00  }
0x23: {  	[tilespmem:s12], [sflag:$0x1] =	stream.indirect_vreg.gather [hbm4b:s5+s3], $0x80, v3, vm0, $0xb8;
	[tilespmem:$0x18400] =	vst v63  }
0x24: {  	s13 =	simm.s32 $0x3400  }
0x25: {  	[tilespmem:s13], [sflag:$0x1] =	stream.indirect_vreg.gather [hbm4b:s6+s3], $0x80, v3, vm0, $0xb8;
	[tilespmem:$0x18400] =	vst v63  }
0x26: {  	s15 =	simm.s32 $0x3C00  }
0x27: {  	[tilespmem:s15], [sflag:$0x1] =	stream.indirect_vreg.gather [hbm4b:s7+s3], $0x80, v3, vm0, $0xb8;
	[tilespmem:$0x18400] =	vst v63  }
0x28: {  	v3 =	vld [tilespmem:$0x10];
	_ =	sdelay $0x4  }
0x29: {  	v4 =	vshll.u32 v3, $0x3  }
0x2a: {  	v3 =	vand.u32 $0x7, v3;
	v4 =	vand.u32 $0xFFFFFFC0, v4  }
0x2b: {  	v3 =	vor.u32 v3, v4  }
0x2c: {  	v4 =	vperm.xlane v3, v0;
	_ =	sdelay $0x1  }
0x2d: {  	v4 =	vadd.s32 v1, v4;
	_ =	sdelay $0x3  }
0x2e: {  	s16 =	simm.s32 $0x4400  }
0x2f: {  	[tilespmem:s16], [sflag:$0x1] =	stream.indirect_vreg.gather [hbm4b:s2+s3], $0x80, v4, vm0, $0xb8;
	[tilespmem:$0x18400] =	vst v63  }
0x30: {  	s17 =	simm.s32 $0x4C00;
	v3 =	vperm.xlane v3, v2  }
0x31: {  	[tilespmem:s17], [sflag:$0x1] =	stream.indirect_vreg.gather [hbm4b:s5+s3], $0x80, v4, vm0, $0xb8;
	[tilespmem:$0x18400] =	vst v63  }
0x32: {  	v3 =	vadd.s32 v1, v3  }
0x33: {  	[tilespmem:s21], [sflag:$0x1] =	stream.indirect_vreg.gather [hbm4b:s6+s3], $0x80, v4, vm0, $0xb8;
	[tilespmem:$0x18400] =	vst v63  }
0x34: {  	_ = 	snop  }
0x35: {  	[tilespmem:s22], [sflag:$0x1] =	stream.indirect_vreg.gather [hbm4b:s7+s3], $0x80, v4, vm0, $0xb8;
	[tilespmem:$0x18400] =	vst v63  }
0x36: {  	p1 =	por $0x0, $0x0  }
0x37: {  	[tilespmem:s23], [sflag:$0x1] =	stream.indirect_vreg.gather [hbm4b:s2+s3], $0x80, v3, vm0, $0xb8;
	[tilespmem:$0x18400] =	vst v63  }
0x38: {  	p0 =	por @!p1 $0x1, $0x1  }
0x39: {  	[tilespmem:s24], [sflag:$0x1] =	stream.indirect_vreg.gather [hbm4b:s5+s3], $0x80, v3, vm0, $0xb8;
	[tilespmem:$0x18400] =	vst v63  }
0x3a: {  	p2 =	por p0, p1  }
0x3b: {  	[tilespmem:s25], [sflag:$0x1] =	stream.indirect_vreg.gather [hbm4b:s6+s3], $0x80, v3, vm0, $0xb8;
	[tilespmem:$0x18400] =	vst v63  }
0x3c: {  	s0 =	simm.s32 @!p2 $0x2  }
0x3d: {  	[tilespmem:s26], [sflag:$0x1] =	stream.indirect_vreg.gather [hbm4b:s7+s3], $0x80, v3, vm0, $0xb8;
	[tilespmem:$0x18400] =	vst v63  }
0x3e: {  	_ =	swait.ge @!p2 [sflag:s0], $0x8000  }
0x3f: {  	[sflag:s0] =	ssyncset.done @!p2 $0x0  }
0x40: {  	p0 =	por p1, p1;
	s1 =	simm.s32 $0x30;
	[sflag:s0] =	ssyncadd.s32 @!p2 $0xFFFF8000  }
0x41: {  	v3 =	vld @!p0 [tilespmem:s1+$0xFFFFFFF0];
	_ =	sdelay $0x3  }
0x42: {  	s31 =	simm.s32 $0x1  }
0x43: {  	s18 =	smul.u32 $0xAB, s31;
	v4 =	vshll.u32 @!p0 v3, $0x3  }
0x44: {  	v5 =	vlaneseq.u32 @!p1;
	v3 =	vand.u32 @!p0 $0x7, v3;
	v4 =	vand.u32 @!p0 $0xFFFFFFC0, v4  }
0x45: {  	v6 =	vand.u32 @!p0 $0x7, v5;
	v7 =	vshrl.u32 @!p0 v5, $0x3;
	s0 =	sshrl.u32 s18, $0x9;
	v3 =	vor.u32 @!p0 v3, v4  }
0x46: {  	s0 =	sand.u32 $0x7F, s0;
	v4 =	vmul.u32 @!p0 $0x8, v7;
	v7 =	vperm.xlane @!p0 v3, v6  }
0x47: {  	s0 =	smul.u32 $0x3, s0  }
0x48: {  	v7 =	vadd.s32 @!p0 v4, v7  }
0x49: {  	s0 =	ssub.s32 $0x1, s0  }
0x4a: {  	s0 =	sand.u32 $0xFF, s0  }
0x4b: {  	s0 =	sshll.u32 @!p1 s0, $0xF  }
0x4c: {  	vm1 =	vmmov @!p0 $0xffff;
	s13 =	simm.s32 @!p0 $0x0;
	s9 =	sor.u32 @!p0 $0x400, s0  }
0x4d: {  	v5 =	vor.u32 @!p0 $0x8, v5;
	[tilespmem:s9], [sflag:$0x1] =	stream.indirect_vreg.gather @!p0 [hbm4b:s2+s13], $0x80, v7, vm1, $0xb8;
	[tilespmem:$0x18400] =	vst v63  }
0x4e: {  	v3 =	vperm.xlane @!p0 v3, v5;
	s9 =	sor.u32 @!p0 $0xC00, s0  }
0x4f: {  	[tilespmem:s9], [sflag:$0x1] =	stream.indirect_vreg.gather @!p0 [hbm4b:s5+s13], $0x80, v7, vm1, $0xb8;
	[tilespmem:$0x18400] =	vst v63  }
0x50: {  	v3 =	vadd.s32 @!p0 v4, v3;
	s9 =	sor.u32 @!p0 $0x1400, s0  }
0x51: {  	[tilespmem:s9], [sflag:$0x1] =	stream.indirect_vreg.gather @!p0 [hbm4b:s6+s13], $0x80, v7, vm1, $0xb8;
	[tilespmem:$0x18400] =	vst v63  }
0x52: {  	s9 =	sor.u32 @!p0 $0x1C00, s0  }
0x53: {  	[tilespmem:s9], [sflag:$0x1] =	stream.indirect_vreg.gather @!p0 [hbm4b:s7+s13], $0x80, v7, vm1, $0xb8;
	[tilespmem:$0x18400] =	vst v63  }
0x54: {  	s9 =	sor.u32 @!p0 $0x2400, s0  }
0x55: {  	[tilespmem:s9], [sflag:$0x1] =	stream.indirect_vreg.gather @!p0 [hbm4b:s2+s13], $0x80, v3, vm1, $0xb8;
	[tilespmem:$0x18400] =	vst v63  }
0x56: {  	s9 =	sor.u32 @!p0 $0x2C00, s0  }
0x57: {  	[tilespmem:s9], [sflag:$0x1] =	stream.indirect_vreg.gather @!p0 [hbm4b:s5+s13], $0x80, v3, vm1, $0xb8;
	[tilespmem:$0x18400] =	vst v63  }
0x58: {  	s9 =	sor.u32 @!p0 $0x3400, s0  }
0x59: {  	[tilespmem:s9], [sflag:$0x1] =	stream.indirect_vreg.gather @!p0 [hbm4b:s6+s13], $0x80, v3, vm1, $0xb8;
	[tilespmem:$0x18400] =	vst v63  }
0x5a: {  	s9 =	sor.u32 @!p0 $0x3C00, s0  }
0x5b: {  	[tilespmem:s9], [sflag:$0x1] =	stream.indirect_vreg.gather @!p0 [hbm4b:s7+s13], $0x80, v3, vm1, $0xb8;
	[tilespmem:$0x18400] =	vst v63  }
0x5c: {  	v3 =	vld @!p0 [tilespmem:s1+$0x0];
	_ =	sdelay $0x4  }
0x5d: {  	v7 =	vshll.u32 @!p0 v3, $0x3  }
0x5e: {  	v3 =	vand.u32 @!p0 $0x7, v3;
	v7 =	vand.u32 @!p0 $0xFFFFFFC0, v7  }
0x5f: {  	v3 =	vor.u32 @!p0 v3, v7  }
0x60: {  	v6 =	vperm.xlane @!p0 v3, v6;
	_ =	sdelay $0x1  }
0x61: {  	v6 =	vadd.s32 @!p0 v4, v6  }
0x62: {  	s11 =	smul.u32 $0xAB, s3;
	s12 =	simm.s32 $0x2  }
0x63: {  	s19 =	smul.u32 $0xAB, s12  }
0x64: {  	s15 =	sshrl.u32 s11, $0x9  }
0x65: {  	s15 =	sand.u32 $0x7F, s15;
	s9 =	sor.u32 @!p0 $0x4400, s0;
	s1 =	sshrl.u32 s19, $0x9  }
0x66: {  	[tilespmem:s9], [sflag:$0x1] =	stream.indirect_vreg.gather @!p0 [hbm4b:s2+s13], $0x80, v6, vm1, $0xb8;
	[tilespmem:$0x18400] =	vst v63  }
0x67: {  	s15 =	smul.u32 $0x3, s15;
	s1 =	sand.u32 $0x7F, s1;
	v3 =	vperm.xlane @!p0 v3, v5;
	s9 =	sor.u32 @!p0 $0x4C00, s0  }
0x68: {  	[tilespmem:s9], [sflag:$0x1] =	stream.indirect_vreg.gather @!p0 [hbm4b:s5+s13], $0x80, v6, vm1, $0xb8;
	[tilespmem:$0x18400] =	vst v63  }
0x69: {  	s11 =	simm.s32 $0x50;
	s1 =	smul.u32 $0x3, s1;
	v4 =	vadd.s32 @!p0 v4, v3;
	s9 =	sor.u32 @!p0 $0x5400, s0  }
0x6a: {  	[tilespmem:s9], [sflag:$0x1] =	stream.indirect_vreg.gather @!p0 [hbm4b:s6+s13], $0x80, v6, vm1, $0xb8;
	[tilespmem:$0x18400] =	vst v63  }
0x6b: {  	p2 =	por $0x0, $0x0;
	s20 =	ssub.s32 $0x2, s1;
	s1 =	sor.u32 @!p0 $0x5C00, s0  }
0x6c: {  	[tilespmem:s1], [sflag:$0x1] =	stream.indirect_vreg.gather @!p0 [hbm4b:s7+s13], $0x80, v6, vm1, $0xb8;
	[tilespmem:$0x18400] =	vst v63  }
0x6d: {  	s18 =	ssub.s32 $0x0, s15;
	p3 =	por @!p2 $0x1, $0x1;
	s1 =	sor.u32 @!p0 $0x6400, s0  }
0x6e: {  	[tilespmem:s1], [sflag:$0x1] =	stream.indirect_vreg.gather @!p0 [hbm4b:s2+s13], $0x80, v4, vm1, $0xb8;
	[tilespmem:$0x18400] =	vst v63  }
0x6f: {  	s16 =	sor.u32 @!p0 $0x6C00, s0;
	s17 =	sor.u32 @!p0 $0x7400, s0;
	s9 =	sand.u32 $0xFF, s20  }
0x70: {  	[tilespmem:s16], [sflag:$0x1] =	stream.indirect_vreg.gather @!p0 [hbm4b:s5+s13], $0x80, v4, vm1, $0xb8;
	[tilespmem:$0x18400] =	vst v63  }
0x71: {  	v3 =	vlaneseq.u32 @!p2;
	s1 =	sadd.s32 $0x1000, s14;
	s16 =	sshll.u32 @!p2 s9, $0xF;
	s9 =	smov.u32 s14  }
.LBB2_2:
0x72: {  	[tilespmem:s17], [sflag:$0x1] =	stream.indirect_vreg.gather @!p0 [hbm4b:s6+s13], $0x80, v4, vm1, $0xb8;
	[tilespmem:$0x18400] =	vst v63  }
0x73: {  	s15 =	smov.u32 s31;
	s31 =	smov.u32 s12  }
0x74: {  	s12 =	sadd.s32 $0x1, s12;
	s17 =	sor.u32 @!p0 $0x7C00, s0;
	s0 =	smov.u32 s16  }
0x75: {  	[tilespmem:s17], [sflag:$0x1] =	stream.indirect_vreg.gather @!p0 [hbm4b:s7+s13], $0x80, v4, vm1, $0xb8;
	[tilespmem:$0x18400] =	vst v63  }
0x76: {  	s16 =	sand.u32 $0xFF, s18;
	s13 =	smul.u32 $0xAB, s12;
	_ =	swait.ge [sflag:s28], $0x8000  }
0x77: {  	p1 =	sne.s32 s12, $0x20;
	s16 =	sshll.u32 s16, $0xF;
	[sflag:s28] =	ssyncset.done $0x0  }
0x78: {  	p3 =	por p3, p2;
	s13 =	sshrl.u32 s13, $0x9;
	[sflag:s28] =	ssyncadd.s32 $0xFFFF8000  }
0x79: {  	s17 =	simm.s32 @!p3 $0x2;
	s16 =	sor.u32 $0x400, s16;
	s13 =	sand.u32 $0x7F, s13  }
0x7a: {  	[hbm4b:s9+s3] =	stream.linear.scatter [tilespmem:s16], [sflag:$0x2], $0x8000, $0x38;
	[tilespmem:$0x18400] =	vst v63  }
0x7b: {  	s13 =	smul.u32 $0x3, s13;
	s9 =	smov.u32 s1;
	_ =	swait.ge @!p3 [sflag:s17], $0x8000  }
0x7c: {  	p0 =	por p2, p2;
	[sflag:s17] =	ssyncset.done @!p3 $0x0  }
0x7d: {  	s16 =	ssub.s32 s12, s13;
	[sflag:s17] =	ssyncadd.s32 @!p3 $0xFFFF8000  }
0x7e: {  	v4 =	vld @!p0 [tilespmem:s11+$0xFFFFFFF0]  }
0x7f: {  	v5 =	vor.u32 @!p0 $0x8, v3  }
0x80: {  	v6 =	vand.u32 @!p0 $0x7, v3;
	v3 =	vshrl.u32 @!p0 v3, $0x3  }
0x81: {  	v3 =	vmul.u32 @!p0 $0x8, v3;
	_ =	sdelay $0x1  }
0x82: {  	v7 =	vshll.u32 @!p0 v4, $0x3  }
0x83: {  	v4 =	vand.u32 @!p0 $0x7, v4;
	v7 =	vand.u32 @!p0 $0xFFFFFFC0, v7  }
0x84: {  	v4 =	vor.u32 @!p0 v4, v7  }
0x85: {  	v7 =	vperm.xlane @!p0 v4, v6;
	v4 =	vperm.xlane @!p0 v4, v5  }
0x86: {  	vm1 =	vmmov @!p0 $0xffff;
	s13 =	simm.s32 @!p0 $0x0  }
0x87: {  	v7 =	vadd.s32 @!p0 v3, v7;
	_ =	sdelay $0x3  }
0x88: {  	s17 =	sor.u32 @!p0 $0x400, s0  }
0x89: {  	[tilespmem:s17], [sflag:$0x1] =	stream.indirect_vreg.gather @!p0 [hbm4b:s2+s13], $0x80, v7, vm1, $0xb8;
	[tilespmem:$0x18400] =	vst v63  }
0x8a: {  	s17 =	sor.u32 @!p0 $0xC00, s0  }
0x8b: {  	[tilespmem:s17], [sflag:$0x1] =	stream.indirect_vreg.gather @!p0 [hbm4b:s5+s13], $0x80, v7, vm1, $0xb8;
	[tilespmem:$0x18400] =	vst v63  }
0x8c: {  	v4 =	vadd.s32 @!p0 v3, v4;
	s17 =	sor.u32 @!p0 $0x1400, s0  }
0x8d: {  	[tilespmem:s17], [sflag:$0x1] =	stream.indirect_vreg.gather @!p0 [hbm4b:s6+s13], $0x80, v7, vm1, $0xb8;
	[tilespmem:$0x18400] =	vst v63  }
0x8e: {  	s17 =	sor.u32 @!p0 $0x1C00, s0  }
0x8f: {  	[tilespmem:s17], [sflag:$0x1] =	stream.indirect_vreg.gather @!p0 [hbm4b:s7+s13], $0x80, v7, vm1, $0xb8;
	[tilespmem:$0x18400] =	vst v63  }
0x90: {  	s17 =	sor.u32 @!p0 $0x2400, s0  }
0x91: {  	[tilespmem:s17], [sflag:$0x1] =	stream.indirect_vreg.gather @!p0 [hbm4b:s2+s13], $0x80, v4, vm1, $0xb8;
	[tilespmem:$0x18400] =	vst v63  }
0x92: {  	s17 =	sor.u32 @!p0 $0x2C00, s0  }
0x93: {  	[tilespmem:s17], [sflag:$0x1] =	stream.indirect_vreg.gather @!p0 [hbm4b:s5+s13], $0x80, v4, vm1, $0xb8;
	[tilespmem:$0x18400] =	vst v63  }
0x94: {  	s17 =	sor.u32 @!p0 $0x3400, s0  }
0x95: {  	[tilespmem:s17], [sflag:$0x1] =	stream.indirect_vreg.gather @!p0 [hbm4b:s6+s13], $0x80, v4, vm1, $0xb8;
	[tilespmem:$0x18400] =	vst v63  }
0x96: {  	s17 =	sor.u32 @!p0 $0x3C00, s0  }
0x97: {  	[tilespmem:s17], [sflag:$0x1] =	stream.indirect_vreg.gather @!p0 [hbm4b:s7+s13], $0x80, v4, vm1, $0xb8;
	[tilespmem:$0x18400] =	vst v63  }
0x98: {  	v4 =	vld @!p0 [tilespmem:s11+$0x0];
	_ =	sdelay $0x4  }
0x99: {  	v7 =	vshll.u32 @!p0 v4, $0x3  }
0x9a: {  	v4 =	vand.u32 @!p0 $0x7, v4;
	v7 =	vand.u32 @!p0 $0xFFFFFFC0, v7  }
0x9b: {  	v4 =	vor.u32 @!p0 v4, v7  }
0x9c: {  	v6 =	vperm.xlane @!p0 v4, v6;
	v4 =	vperm.xlane @!p0 v4, v5;
	_ =	sdelay $0x1  }
0x9d: {  	v5 =	vadd.s32 @!p0 v3, v6;
	_ =	sdelay $0x3  }
0x9e: {  	s17 =	sor.u32 @!p0 $0x4400, s0  }
0x9f: {  	[tilespmem:s17], [sflag:$0x1] =	stream.indirect_vreg.gather @!p0 [hbm4b:s2+s13], $0x80, v5, vm1, $0xb8;
	[tilespmem:$0x18400] =	vst v63  }
0xa0: {  	s18 =	smul.u32 $0xAB, s15;
	s11 =	sadd.s32 $0x20, s11;
	s17 =	sor.u32 @!p0 $0x4C00, s0  }
0xa1: {  	[tilespmem:s17], [sflag:$0x1] =	stream.indirect_vreg.gather @!p0 [hbm4b:s5+s13], $0x80, v5, vm1, $0xb8;
	[tilespmem:$0x18400] =	vst v63  }
0xa2: {  	s19 =	sor.u32 @!p0 $0x6C00, s0;
	s1 =	sadd.s32 $0x1000, s1;
	v4 =	vadd.s32 @!p0 v3, v4;
	s17 =	sor.u32 @!p0 $0x5400, s0  }
0xa3: {  	[tilespmem:s17], [sflag:$0x1] =	stream.indirect_vreg.gather @!p0 [hbm4b:s6+s13], $0x80, v5, vm1, $0xb8;
	[tilespmem:$0x18400] =	vst v63  }
0xa4: {  	s18 =	sshrl.u32 s18, $0x9;
	s20 =	sor.u32 @!p0 $0x6400, s0;
	s17 =	sor.u32 @!p0 $0x5C00, s0  }
0xa5: {  	[tilespmem:s17], [sflag:$0x1] =	stream.indirect_vreg.gather @!p0 [hbm4b:s7+s13], $0x80, v5, vm1, $0xb8;
	[tilespmem:$0x18400] =	vst v63  }
.Ltmp0:
0xa6: {  	s18 =	sand.u32 $0x7F, s18;
	s17 =	sor.u32 @!p0 $0x7400, s0;
	(pc) =	sbr.rel @p1 .LBB2_2-.Ltmp0, $4  }
0xa7: {  	[tilespmem:s20], [sflag:$0x1] =	stream.indirect_vreg.gather @!p0 [hbm4b:s2+s13], $0x80, v4, vm1, $0xb8;
	[tilespmem:$0x18400] =	vst v63  }
0xa8: {  	p2 =	seq.s32 s31, $0x1F;
	s18 =	smul.u32 $0x3, s18;
	s16 =	sand.u32 $0xFF, s16  }
0xa9: {  	[tilespmem:s19], [sflag:$0x1] =	stream.indirect_vreg.gather @!p0 [hbm4b:s5+s13], $0x80, v4, vm1, $0xb8;
	[tilespmem:$0x18400] =	vst v63  }
0xaa: {  	s18 =	ssub.s32 s15, s18;
	p3 =	slt.u32 @!p2 s31, $0x2;
	s16 =	sshll.u32 @!p2 s16, $0xF;
	v3 =	vlaneseq.u32 @!p2  }
0xab: {  	_ =	sdelay $0x3  }
0xac: {  	[tilespmem:s17], [sflag:$0x1] =	stream.indirect_vreg.gather @!p0 [hbm4b:s6+s13], $0x80, v4, vm1, $0xb8;
	[tilespmem:$0x18400] =	vst v63  }
0xad: {  	s0 =	sor.u32 @!p0 $0x7C00, s0  }
0xae: {  	[tilespmem:s0], [sflag:$0x1] =	stream.indirect_vreg.gather @!p0 [hbm4b:s7+s13], $0x80, v4, vm1, $0xb8;
	[tilespmem:$0x18400] =	vst v63  }
0xaf: {  	s19 =	sand.u32 $0xFF, s18;
	_ =	swait.ge [sflag:s28], $0x8000  }
0xb0: {  	p1 =	por p3, p2;
	s0 =	sshll.u32 s19, $0xF;
	[sflag:s28] =	ssyncset.done $0x0  }
0xb1: {  	s12 =	simm.s32 @!p1 $0x2;
	s0 =	sor.u32 $0x400, s0;
	[sflag:s28] =	ssyncadd.s32 $0xFFFF8000  }
0xb2: {  	[hbm4b:s9+s3] =	stream.linear.scatter [tilespmem:s0], [sflag:$0x2], $0x8000, $0x38;
	[tilespmem:$0x18400] =	vst v63  }
0xb3: {  	_ =	swait.ge @!p1 [sflag:s12], $0x8000  }
0xb4: {  	[sflag:s12] =	ssyncset.done @!p1 $0x0  }
0xb5: {  	p0 =	por p2, p2;
	[sflag:s12] =	ssyncadd.s32 @!p1 $0xFFFF8000  }
0xb6: {  	v4 =	vld @!p0 [tilespmem:s11+$0xFFFFFFF0];
	_ =	sdelay $0x4  }
0xb7: {  	v5 =	vshll.u32 @!p0 v4, $0x3  }
0xb8: {  	v4 =	vand.u32 @!p0 $0x7, v4;
	v5 =	vand.u32 @!p0 $0xFFFFFFC0, v5  }
0xb9: {  	v6 =	vand.u32 @!p0 $0x7, v3;
	v7 =	vshrl.u32 @!p0 v3, $0x3;
	v4 =	vor.u32 @!p0 v4, v5  }
0xba: {  	v5 =	vmul.u32 @!p0 $0x8, v7;
	v7 =	vperm.xlane @!p0 v4, v6;
	_ =	sdelay $0x1  }
0xbb: {  	v7 =	vadd.s32 @!p0 v5, v7;
	_ =	sdelay $0x3  }
0xbc: {  	vm1 =	vmmov @!p0 $0xffff;
	s0 =	simm.s32 @!p0 $0x0;
	s9 =	sor.u32 @!p0 $0x400, s16  }
0xbd: {  	v3 =	vor.u32 @!p0 $0x8, v3;
	[tilespmem:s9], [sflag:$0x1] =	stream.indirect_vreg.gather @!p0 [hbm4b:s2+s0], $0x80, v7, vm1, $0xb8;
	[tilespmem:$0x18400] =	vst v63  }
0xbe: {  	v4 =	vperm.xlane @!p0 v4, v3;
	s9 =	sor.u32 @!p0 $0xC00, s16  }
0xbf: {  	[tilespmem:s9], [sflag:$0x1] =	stream.indirect_vreg.gather @!p0 [hbm4b:s5+s0], $0x80, v7, vm1, $0xb8;
	[tilespmem:$0x18400] =	vst v63  }
0xc0: {  	v4 =	vadd.s32 @!p0 v5, v4;
	s9 =	sor.u32 @!p0 $0x1400, s16  }
0xc1: {  	[tilespmem:s9], [sflag:$0x1] =	stream.indirect_vreg.gather @!p0 [hbm4b:s6+s0], $0x80, v7, vm1, $0xb8;
	[tilespmem:$0x18400] =	vst v63  }
0xc2: {  	s9 =	sor.u32 @!p0 $0x1C00, s16  }
0xc3: {  	[tilespmem:s9], [sflag:$0x1] =	stream.indirect_vreg.gather @!p0 [hbm4b:s7+s0], $0x80, v7, vm1, $0xb8;
	[tilespmem:$0x18400] =	vst v63  }
0xc4: {  	s9 =	sor.u32 @!p0 $0x2400, s16  }
0xc5: {  	[tilespmem:s9], [sflag:$0x1] =	stream.indirect_vreg.gather @!p0 [hbm4b:s2+s0], $0x80, v4, vm1, $0xb8;
	[tilespmem:$0x18400] =	vst v63  }
0xc6: {  	s9 =	sor.u32 @!p0 $0x2C00, s16  }
0xc7: {  	[tilespmem:s9], [sflag:$0x1] =	stream.indirect_vreg.gather @!p0 [hbm4b:s5+s0], $0x80, v4, vm1, $0xb8;
	[tilespmem:$0x18400] =	vst v63  }
0xc8: {  	s9 =	sor.u32 @!p0 $0x3400, s16  }
0xc9: {  	[tilespmem:s9], [sflag:$0x1] =	stream.indirect_vreg.gather @!p0 [hbm4b:s6+s0], $0x80, v4, vm1, $0xb8;
	[tilespmem:$0x18400] =	vst v63  }
0xca: {  	s9 =	sor.u32 @!p0 $0x3C00, s16  }
0xcb: {  	[tilespmem:s9], [sflag:$0x1] =	stream.indirect_vreg.gather @!p0 [hbm4b:s7+s0], $0x80, v4, vm1, $0xb8;
	[tilespmem:$0x18400] =	vst v63  }
0xcc: {  	v4 =	vld @!p0 [tilespmem:s11+$0x0];
	_ =	sdelay $0x4  }
0xcd: {  	v7 =	vshll.u32 @!p0 v4, $0x3  }
0xce: {  	v4 =	vand.u32 @!p0 $0x7, v4;
	v7 =	vand.u32 @!p0 $0xFFFFFFC0, v7  }
0xcf: {  	v4 =	vor.u32 @!p0 v4, v7  }
0xd0: {  	v6 =	vperm.xlane @!p0 v4, v6;
	_ =	sdelay $0x1  }
0xd1: {  	v6 =	vadd.s32 @!p0 v5, v6;
	_ =	sdelay $0x3  }
0xd2: {  	s9 =	sor.u32 @!p0 $0x4400, s16  }
0xd3: {  	[tilespmem:s9], [sflag:$0x1] =	stream.indirect_vreg.gather @!p0 [hbm4b:s2+s0], $0x80, v6, vm1, $0xb8;
	[tilespmem:$0x18400] =	vst v63  }
0xd4: {  	v3 =	vperm.xlane @!p0 v4, v3;
	s9 =	sor.u32 @!p0 $0x4C00, s16  }
0xd5: {  	[tilespmem:s9], [sflag:$0x1] =	stream.indirect_vreg.gather @!p0 [hbm4b:s5+s0], $0x80, v6, vm1, $0xb8;
	[tilespmem:$0x18400] =	vst v63  }
0xd6: {  	v3 =	vadd.s32 @!p0 v5, v3;
	s9 =	sor.u32 @!p0 $0x5400, s16  }
0xd7: {  	[tilespmem:s9], [sflag:$0x1] =	stream.indirect_vreg.gather @!p0 [hbm4b:s6+s0], $0x80, v6, vm1, $0xb8;
	[tilespmem:$0x18400] =	vst v63  }
0xd8: {  	s20 =	smul.u32 $0xAB, s31;
	s11 =	sor.u32 @!p0 $0x5C00, s16  }
0xd9: {  	[tilespmem:s11], [sflag:$0x1] =	stream.indirect_vreg.gather @!p0 [hbm4b:s7+s0], $0x80, v6, vm1, $0xb8;
	[tilespmem:$0x18400] =	vst v63  }
0xda: {  	s9 =	sshrl.u32 s20, $0x9;
	s11 =	sor.u32 @!p0 $0x6400, s16  }
0xdb: {  	[tilespmem:s11], [sflag:$0x1] =	stream.indirect_vreg.gather @!p0 [hbm4b:s2+s0], $0x80, v3, vm1, $0xb8;
	[tilespmem:$0x18400] =	vst v63  }
0xdc: {  	s9 =	sand.u32 $0x7F, s9;
	s11 =	sor.u32 @!p0 $0x6C00, s16  }
0xdd: {  	[tilespmem:s11], [sflag:$0x1] =	stream.indirect_vreg.gather @!p0 [hbm4b:s5+s0], $0x80, v3, vm1, $0xb8;
	[tilespmem:$0x18400] =	vst v63  }
0xde: {  	s9 =	smul.u32 $0x3, s9;
	s11 =	sor.u32 @!p0 $0x7400, s16  }
0xdf: {  	[tilespmem:s11], [sflag:$0x1] =	stream.indirect_vreg.gather @!p0 [hbm4b:s6+s0], $0x80, v3, vm1, $0xb8;
	[tilespmem:$0x18400] =	vst v63  }
0xe0: {  	s9 =	ssub.s32 s31, s9;
	s11 =	sor.u32 @!p0 $0x7C00, s16  }
0xe1: {  	[tilespmem:s11], [sflag:$0x1] =	stream.indirect_vreg.gather @!p0 [hbm4b:s7+s0], $0x80, v3, vm1, $0xb8;
	[tilespmem:$0x18400] =	vst v63  }
0xe2: {  	s31 =	sand.u32 $0xFF, s9;
	_ =	swait.ge [sflag:s28], $0x8000  }
0xe3: {  	s0 =	sshll.u32 s31, $0xF;
	[sflag:s28] =	ssyncset.done $0x0  }
0xe4: {  	s0 =	sor.u32 $0x400, s0;
	[sflag:s28] =	ssyncadd.s32 $0xFFFF8000  }
0xe5: {  	[hbm4b:s1+s3] =	stream.linear.scatter [tilespmem:s0], [sflag:$0x2], $0x8000, $0x38;
	[tilespmem:$0x18400] =	vst v63  }
0xe6: {  	_ =	swait.ge [sflag:s29], $0x8000  }
0xe7: {  	[sflag:s29] =	ssyncset.done $0x0  }
0xe8: {  	s30 =	sadd.s32 $0x1, s30;
	[sflag:s29] =	ssyncadd.s32 $0xFFFF8000  }
0xe9: {  	p0 =	sne.s32 s30, s8;
	_ =	swait.ge [sflag:s29], $0x8000  }
.Ltmp1:
0xea: {  	[sflag:s29] =	ssyncset.done $0x0;
	(pc) =	sbr.rel @p0 .LBB2_1-.Ltmp1, $4  }
0xeb: {  	[sflag:s29] =	ssyncadd.s32 $0xFFFF8000  }
0xec: {  	_ =	swait.ge [sflag:s29], $0x8000  }
0xed: {  	[sflag:s29] =	ssyncset.done $0x0  }
0xee: {  	[sflag:s29] =	ssyncadd.s32 $0xFFFF8000  }
0xef: {  	_ =	sfence.sel $0x180000  }
0xf0: {  	[bflag:$0x0] =	sbarrier.arrive $0xFFFF  }
0xf1: {  	_ =	strace $0x90000047  }
0xf2: {  	s0 =	stileid.u32;
	[bflag:$0x2] =	sbarrier.arrive $0xFFFF  }
0xf3: {  	p0 =	sne.s32 s0, $0x0;
	s0 =	rddreg [dreg:$0x3]  }
0xf4: {  	s0 =	sadd.s32 @!p0 $0x100000, s0  }
0xf5: {  	[sflag:s0] =	ssyncadd.tile.s32 @!p0 $0x1;
	_ =	shalt  }
.Lfunc_end2:
_tile_overlayer_lowered:
.L_overlay_start_2:
0xf6: {  	(tag) =	ssettag $0x2  }
0xf7: {  	s0 =	rddreg [dreg:$0x0];
	s2 =	stileid.u32  }
0xf8: {  	s1 =	rddreg [dreg:$0x1];
	p0 =	sne.s32 s2, $0x0  }
0xf9: {  	s3 =	rddreg [dreg:$0x2];
	[bflag:$0x3] =	sbarrier.arrive $0xFFFF;
	s2 =	simm.s32 @!p0 $0x1C03  }
0xfa: {  	[timem:s3], [sflag:s2] =	dma.local @!p0 [hbm:s0], s1  }
0xfb: {  	s0 =	simm.s32 @!p0 $0x3  }
0xfc: {  	_ =	swait.ge @!p0 [sflag:s0], s1  }
0xfd: {  	s1 =	ssub.s32 @!p0 $0x0, s1;
	[sflag:s0] =	ssyncset.done @!p0 $0x0  }
0xfe: {  	[sflag:s0] =	ssyncadd.s32 @!p0 s1  }
0xff: {  	[bflag:$0x3] =	sbarrier.arrive $0xFFFF  }
0x100: {  	_ =	shalt  }

</sc_bundles>
